<compile_context>
chip_gen: v7x
topology: tpu7x:2x2x1
jax: 0.10.2.dev20260603
libtpu: 0.0.44.dev20260713+nightly
codegen_flags: <defaults>
</compile_context>

<pallas_src>
import functools

import jax
import jax.numpy as jnp
from jax import lax
from jax.experimental import pallas as pl
from jax.experimental.pallas import tpu as pltpu
from jax.experimental.pallas import tpu_sc as plsc

D_MODEL = 1024
N_FEATURES = 16384
BATCH = 4096
TOPK = 64
FULL_BATCH_SIZE = 4096
GRAD_CLIP_THRESHOLD = 1.0

_NS = 16
_IDX_TOTAL = BATCH * TOPK
_IDX_ROWS = _IDX_TOTAL // 128
_ROWS_PER_W = _IDX_ROWS // _NS
_BINS_PER_W = N_FEATURES // _NS


def _sc_histogram(idx2d, zeros_init, blend, fd, ai):
    mesh = plsc.VectorSubcoreMesh(core_axis_name="c", subcore_axis_name="s",
                                  num_cores=1)

    @functools.partial(
        pl.kernel,
        out_type=[jax.ShapeDtypeStruct((N_FEATURES,), jnp.float32),
                  jax.ShapeDtypeStruct((N_FEATURES,), jnp.int32)],
        mesh=mesh,
        scratch_types=[
            pltpu.VMEM((_ROWS_PER_W, 128), jnp.int32),
            pltpu.VMEM((128,), jnp.float32),
            pltpu.VMEM((32,), jnp.float32),
            pltpu.VMEM((_BINS_PER_W,), jnp.float32),
            pltpu.VMEM((_BINS_PER_W,), jnp.float32),
            pltpu.VMEM((_BINS_PER_W,), jnp.int32),
            pltpu.VMEM_SHARED((N_FEATURES,), jnp.float32),
        ],
    )
    def hist(idx_hbm, zero_hbm, blend_hbm, fd_hbm, ai_hbm,
             outfd_hbm, outai_hbm,
             idx_v, ones_v, blend_v, cnt_v, fd_v, ai_v, counts_sh):
        sid = lax.axis_index("s")

        pltpu.sync_copy(idx_hbm.at[pl.ds(sid * _ROWS_PER_W, _ROWS_PER_W)],
                        idx_v)
        pltpu.sync_copy(blend_hbm, blend_v)

        for i in range(8):
            ones_v[pl.ds(i * 16, 16)] = jnp.ones((16,), jnp.float32)

        @pl.when(sid == 0)
        def _():
            pltpu.sync_copy(zero_hbm, counts_sh)

        plsc.subcore_barrier()

        def scat_body(j, carry):
            pltpu.sync_copy(ones_v, counts_sh.at[idx_v.at[j]], add=True)
            return carry

        lax.fori_loop(0, _ROWS_PER_W, scat_body, 0)

        plsc.subcore_barrier()

        base = sid * _BINS_PER_W
        pltpu.sync_copy(counts_sh.at[pl.ds(base, _BINS_PER_W)], cnt_v)
        pltpu.sync_copy(fd_hbm.at[pl.ds(base, _BINS_PER_W)], fd_v)
        pltpu.sync_copy(ai_hbm.at[pl.ds(base, _BINS_PER_W)], ai_v)

        wfv = blend_v[pl.ds(0, 16)]
        nwfv = blend_v[pl.ds(16, 16)]
        inv_fb = jnp.float32(1.0 / FULL_BATCH_SIZE)

        def bin_body(k, carry):
            sl = pl.ds(k * 16, 16)
            c = cnt_v[sl]
            fd_v[sl] = fd_v[sl] * wfv + (c * inv_fb) * nwfv
            ai_v[sl] = jnp.where(c > 0.0, 0, ai_v[sl] + 1)
            return carry

        lax.fori_loop(0, _BINS_PER_W // 16, bin_body, 0)

        pltpu.sync_copy(fd_v, outfd_hbm.at[pl.ds(base, _BINS_PER_W)])
        pltpu.sync_copy(ai_v, outai_hbm.at[pl.ds(base, _BINS_PER_W)])

    return hist(idx2d, zeros_init, blend, fd, ai)


_G = 32
_FBLK = N_FEATURES // _G
_DBLK = D_MODEL // _G
_XBLK = BATCH // _G

_R_XN, _R_SE, _R_SD, _R_GE, _R_GD = 0, 1, 2, 3, 4


def _reduce_body(scal_ref, xb, we, wd, ge, gd, scal_out, acc):
    i = pl.program_id(0)

    @pl.when(i == 0)
    def _():
        acc[...] = jnp.zeros_like(acc)

    xs = xb[...]
    rn = jnp.sqrt(jnp.sum(xs * xs, axis=1))
    acc[_R_XN, :] += jnp.sum(rn.reshape(-1, 128), axis=0)

    def _sumsq_cols(ref):
        v = ref[...]
        p = jnp.sum(v * v, axis=0)
        return jnp.sum(p.reshape(-1, 128), axis=0)

    acc[_R_SE, :] += _sumsq_cols(we)
    acc[_R_SD, :] += _sumsq_cols(wd)
    acc[_R_GE, :] += _sumsq_cols(ge)
    acc[_R_GD, :] += _sumsq_cols(gd)

    @pl.when(i == _G - 1)
    def _():
        wf = scal_ref[0]
        nwf = scal_ref[1]
        old_avg = scal_ref[2]
        old_gcp = scal_ref[3]

        tot = jnp.sum(acc[...], axis=1, keepdims=True)
        sx = tot[_R_XN:_R_XN + 1, :]
        se = tot[_R_SE:_R_SE + 1, :]
        sd = tot[_R_SD:_R_SD + 1, :]
        geh = tot[_R_GE:_R_GE + 1, :]
        gdh = tot[_R_GD:_R_GD + 1, :]

        avg_new = old_avg * wf + (sx / BATCH) * nwf
        gnorm = jnp.sqrt(geh + gdh)
        gcp_new = (old_gcp * wf +
                   (gnorm > GRAD_CLIP_THRESHOLD).astype(jnp.float32) * nwf)

        scal_out[0:1, :] = jnp.broadcast_to(avg_new, (1, 128))
        scal_out[1:2, :] = jnp.broadcast_to(gcp_new, (1, 128))
        scal_out[2:3, :] = jnp.broadcast_to(jnp.sqrt(se), (1, 128))
        scal_out[3:4, :] = jnp.broadcast_to(jnp.sqrt(sd), (1, 128))
        scal_out[4:5, :] = jnp.broadcast_to(jnp.sqrt(geh), (1, 128))
        scal_out[5:6, :] = jnp.broadcast_to(jnp.sqrt(gdh), (1, 128))
        scal_out[6:8, :] = jnp.zeros((2, 128), jnp.float32)


def _tc_reduce(scal, x, W_enc, W_dec, gW_enc, gW_dec):
    return pl.pallas_call(
        _reduce_body,
        grid=(_G,),
        in_specs=[
            pl.BlockSpec(memory_space=pltpu.SMEM),
            pl.BlockSpec((_XBLK, D_MODEL), lambda i: (i, 0)),
            pl.BlockSpec((_DBLK, N_FEATURES), lambda i: (i, 0)),
            pl.BlockSpec((_FBLK, D_MODEL), lambda i: (i, 0)),
            pl.BlockSpec((_DBLK, N_FEATURES), lambda i: (i, 0)),
            pl.BlockSpec((_FBLK, D_MODEL), lambda i: (i, 0)),
        ],
        out_specs=pl.BlockSpec((8, 128), lambda i: (0, 0)),
        out_shape=jax.ShapeDtypeStruct((8, 128), jnp.float32),
        scratch_shapes=[pltpu.VMEM((8, 128), jnp.float32)],
        compiler_params=pltpu.CompilerParams(
            dimension_semantics=("arbitrary",),
        ),
    )(scal, x, W_enc, W_dec, gW_enc, gW_dec)


def kernel(x, k_indices, W_enc, W_dec, grad_W_enc, grad_W_dec, avg_norm,
           feature_density, activated_in, grad_clip_percent, n_steps):
    n_steps_f = jnp.asarray(n_steps, jnp.float32)
    wf = n_steps_f / (n_steps_f + 1.0)
    nwf = 1.0 / (n_steps_f + 1.0)

    scal = jnp.stack([wf, nwf,
                      jnp.asarray(avg_norm, jnp.float32),
                      jnp.asarray(grad_clip_percent, jnp.float32)])
    sc_out = _tc_reduce(scal, x, W_enc, W_dec, grad_W_enc, grad_W_dec)

    idx2d = k_indices.reshape(_IDX_ROWS, 128)
    zeros_init = jnp.zeros((N_FEATURES,), jnp.float32)
    blend = jnp.concatenate([jnp.full((16,), wf, jnp.float32),
                             jnp.full((16,), nwf, jnp.float32)])
    fd_out, ai_out = _sc_histogram(idx2d, zeros_init, blend,
                                   feature_density, activated_in)

    new_n_steps = jnp.asarray(n_steps + 1, dtype=jnp.int32)
    return (new_n_steps,
            sc_out[0, 0],
            fd_out,
            ai_out,
            sc_out[1, 0],
            sc_out[2, 0],
            sc_out[3, 0],
            sc_out[4, 0],
            sc_out[5, 0])

# --- scband reference (transcript-rebuilt; emitter-appended) ---
"""Pipeline reference for scband-saeinfo-70523363000340 (READ-ONLY COPY).

The authoritative reference and input builder live on the scoring server;
editing this copy changes nothing except your own understanding.
"""

import jax, jax.numpy as jnp
import numpy as np
import math

D_MODEL = 1024
N_FEATURES = 16384
BATCH = 4096
TOPK = 64
FULL_BATCH_SIZE = 4096
GRAD_CLIP_THRESHOLD = 1.0


def setup_inputs(seed: int = 0) -> dict:
    key = jax.random.key(seed)
    ks = jax.random.split(key, 8)
    x = jax.random.normal(ks[0], (BATCH, D_MODEL), dtype=jnp.float32)
    k_indices = jax.random.randint(ks[1], (BATCH, TOPK), 0, N_FEATURES, dtype=jnp.int32)
    W_enc = jax.random.normal(ks[2], (D_MODEL, N_FEATURES), dtype=jnp.float32) * 0.02
    W_dec = jax.random.normal(ks[3], (N_FEATURES, D_MODEL), dtype=jnp.float32) * 0.02
    grad_W_enc = jax.random.normal(ks[4], (D_MODEL, N_FEATURES), dtype=jnp.float32) * 0.01
    grad_W_dec = jax.random.normal(ks[5], (N_FEATURES, D_MODEL), dtype=jnp.float32) * 0.01
    avg_norm = jnp.ones((), dtype=jnp.float32)
    feature_density = jnp.zeros((N_FEATURES,), dtype=jnp.float32)
    activated_in = jnp.zeros((N_FEATURES,), dtype=jnp.int32)
    grad_clip_percent = jnp.zeros((), dtype=jnp.float32)
    n_steps = 10
    return {
        'x': x,
        'k_indices': k_indices,
        'W_enc': W_enc,
        'W_dec': W_dec,
        'grad_W_enc': grad_W_enc,
        'grad_W_dec': grad_W_dec,
        'avg_norm': avg_norm,
        'feature_density': feature_density,
        'activated_in': activated_in,
        'grad_clip_percent': grad_clip_percent,
        'n_steps': n_steps,
    }


def reference(x, k_indices, W_enc, W_dec, grad_W_enc, grad_W_dec, avg_norm,
              feature_density, activated_in, grad_clip_percent, n_steps):
    # SAEInfo.step with do_update=True
    weighting_factor = n_steps / (n_steps + 1)
    new_weighting_factor = 1.0 / (n_steps + 1)

    # running average of input norms
    new_avg_norm = jnp.mean(jnp.linalg.norm(x, axis=-1))
    updated_avg_norm = avg_norm * weighting_factor + new_avg_norm * new_weighting_factor

    # histogram of activated feature indices (scatter-add)
    activations = jnp.zeros(feature_density.shape, dtype=jnp.float32).at[k_indices.flatten()].add(1.0)
    new_feature_density = activations / FULL_BATCH_SIZE
    updated_feature_density = feature_density * weighting_factor + new_feature_density * new_weighting_factor

    # steps-since-last-activation counter
    updated_activated_in = jnp.where(activations > 0, 0, activated_in + 1).astype(jnp.int32)

    # gradient clipping fraction (global_norm over grad pytree)
    gnorm = jnp.sqrt(jnp.sum(grad_W_enc ** 2) + jnp.sum(grad_W_dec ** 2))
    new_grad_clip_percent = (gnorm > GRAD_CLIP_THRESHOLD).astype(jnp.float32)
    updated_grad_clip_percent = grad_clip_percent * weighting_factor + new_grad_clip_percent * new_weighting_factor

    # weight / grad Frobenius norms
    wn_enc = jnp.linalg.norm(W_enc)
    wn_dec = jnp.linalg.norm(W_dec)
    gn_enc = jnp.linalg.norm(grad_W_enc)
    gn_dec = jnp.linalg.norm(grad_W_dec)

    new_n_steps = jnp.asarray(n_steps + 1, dtype=jnp.int32)
    return (new_n_steps, updated_avg_norm, updated_feature_density, updated_activated_in,
            updated_grad_clip_percent, wn_enc, wn_dec, gn_enc, gn_dec)

if __name__ == "__main__":
    import jax
    _d = setup_inputs()
    print(jax.jit(kernel)(*tuple(_d.values())))

</pallas_src>

<mosaic_0001>
#map = affine_map<(d0, d1) -> (0, 0)>
#map1 = affine_map<(d0, d1) -> (0)>
module attributes {stable_mosaic.version = 14 : i64} {
  func.func @hist(%arg0: i32, %arg1: i32, %arg2: memref<2048x128xi32, #tpu.memory_space<hbm>>, %arg3: memref<16384xf32, #tpu.memory_space<hbm>>, %arg4: memref<32xf32, #tpu.memory_space<hbm>>, %arg5: memref<16384xf32, #tpu.memory_space<hbm>>, %arg6: memref<16384xi32, #tpu.memory_space<hbm>>, %arg7: memref<16384xf32, #tpu.memory_space<hbm>>, %arg8: memref<16384xi32, #tpu.memory_space<hbm>>, %arg9: memref<128x128xi32, #tpu.memory_space<vmem>>, %arg10: memref<128xf32, #tpu.memory_space<vmem>>, %arg11: memref<32xf32, #tpu.memory_space<vmem>>, %arg12: memref<1024xf32, #tpu.memory_space<vmem>>, %arg13: memref<1024xf32, #tpu.memory_space<vmem>>, %arg14: memref<1024xi32, #tpu.memory_space<vmem>>, %arg15: memref<16384xf32, #tpu.memory_space<vmem_shared>>) attributes {dimension_semantics = [#tpu.dimension_semantics<core_parallel>, #tpu.dimension_semantics<subcore_parallel>], iteration_bounds = array<i64: 1, 16>, scalar_prefetch = 0 : i64, scratch_operands = 7 : i64, tpu.core_type = #tpu.core_type<sc_vector_subcore>, window_params = [{transform_indices = #map}, {transform_indices = #map1}, {transform_indices = #map1}, {transform_indices = #map1}, {transform_indices = #map1}, {transform_indices = #map1}, {transform_indices = #map1}]} {
    %mul3A = arith.constant 128 : i32
    %mul3A_0 = arith.muli %arg1, %mul3A : i32
    "tpu.region"() ({
      %run_scoped3A = tpu.sem_alloc : memref<!tpu.dma_semaphore, #tpu.memory_space<semaphore_mem>>
      %dma_start3A = arith.constant 0 : i32
      %dma_start3A_69 = tpu.memref_slice %arg2[%mul3A_0, %dma_start3A] : memref<2048x128xi32, #tpu.memory_space<hbm>> -> memref<128x128xi32, #tpu.memory_space<hbm>>
      %dma_start3A_70 = arith.constant 0 : i32
      %dma_start3A_71 = tpu.memref_slice %arg2[%mul3A_0, %dma_start3A_70] : memref<2048x128xi32, #tpu.memory_space<hbm>> -> memref<128x128xi32, #tpu.memory_space<hbm>>
      tpu.enqueue_dma source(%dma_start3A_71 : memref<128x128xi32, #tpu.memory_space<hbm>>) target(%arg9 : memref<128x128xi32, #tpu.memory_space<vmem>>) target_semaphore(%run_scoped3A : memref<!tpu.dma_semaphore, #tpu.memory_space<semaphore_mem>>)
      %dma_wait3A = arith.constant 0 : i32
      %dma_wait3A_72 = tpu.memref_slice %arg2[%mul3A_0, %dma_wait3A] : memref<2048x128xi32, #tpu.memory_space<hbm>> -> memref<128x128xi32, #tpu.memory_space<hbm>>
      %dma_wait3A_73 = arith.constant 0 : i32
      %dma_wait3A_74 = tpu.memref_slice %arg2[%mul3A_0, %dma_wait3A_73] : memref<2048x128xi32, #tpu.memory_space<hbm>> -> memref<128x128xi32, #tpu.memory_space<hbm>>
      tpu.wait_dma2 semaphore(%run_scoped3A : memref<!tpu.dma_semaphore, #tpu.memory_space<semaphore_mem>>) src(%dma_wait3A_74 : memref<128x128xi32, #tpu.memory_space<hbm>>) dst(%arg9 : memref<128x128xi32, #tpu.memory_space<vmem>>)
      tpu.yield
    }) : () -> ()
    "tpu.region"() ({
      %run_scoped3A = tpu.sem_alloc : memref<!tpu.dma_semaphore, #tpu.memory_space<semaphore_mem>>
      tpu.enqueue_dma source(%arg4 : memref<32xf32, #tpu.memory_space<hbm>>) target(%arg11 : memref<32xf32, #tpu.memory_space<vmem>>) target_semaphore(%run_scoped3A : memref<!tpu.dma_semaphore, #tpu.memory_space<semaphore_mem>>)
      tpu.wait_dma2 semaphore(%run_scoped3A : memref<!tpu.dma_semaphore, #tpu.memory_space<semaphore_mem>>) src(%arg4 : memref<32xf32, #tpu.memory_space<hbm>>) dst(%arg11 : memref<32xf32, #tpu.memory_space<vmem>>)
      tpu.yield
    }) : () -> ()
    %broadcast_in_dim3A = arith.constant 1.000000e+00 : f32
    %broadcast_in_dim3A_1 = vector.broadcast %broadcast_in_dim3A : f32 to vector<16xf32>
    %swap3A = arith.constant 0 : index
    %swap3A_2 = tpu.vector_load %arg10[%swap3A] {strides = array<i32>} : memref<128xf32, #tpu.memory_space<vmem>>, vector<16xf32>,
    %swap3A_3 = vector.shape_cast %swap3A_2 : vector<16xf32> to vector<16xf32>
    %swap3A_4 = vector.shape_cast %broadcast_in_dim3A_1 : vector<16xf32> to vector<16xf32>
    tpu.vector_store %arg10[%swap3A], %swap3A_4 {strides = array<i32>} : memref<128xf32, #tpu.memory_space<vmem>>, vector<16xf32>,
    %broadcast_in_dim3A_5 = arith.constant 1.000000e+00 : f32
    %broadcast_in_dim3A_6 = vector.broadcast %broadcast_in_dim3A_5 : f32 to vector<16xf32>
    %swap3A_7 = arith.constant 16 : index
    %swap3A_8 = tpu.vector_load %arg10[%swap3A_7] {strides = array<i32>} : memref<128xf32, #tpu.memory_space<vmem>>, vector<16xf32>,
    %swap3A_9 = vector.shape_cast %swap3A_8 : vector<16xf32> to vector<16xf32>
    %swap3A_10 = vector.shape_cast %broadcast_in_dim3A_6 : vector<16xf32> to vector<16xf32>
    tpu.vector_store %arg10[%swap3A_7], %swap3A_10 {strides = array<i32>} : memref<128xf32, #tpu.memory_space<vmem>>, vector<16xf32>,
    %broadcast_in_dim3A_11 = arith.constant 1.000000e+00 : f32
    %broadcast_in_dim3A_12 = vector.broadcast %broadcast_in_dim3A_11 : f32 to vector<16xf32>
    %swap3A_13 = arith.constant 32 : index
    %swap3A_14 = tpu.vector_load %arg10[%swap3A_13] {strides = array<i32>} : memref<128xf32, #tpu.memory_space<vmem>>, vector<16xf32>,
    %swap3A_15 = vector.shape_cast %swap3A_14 : vector<16xf32> to vector<16xf32>
    %swap3A_16 = vector.shape_cast %broadcast_in_dim3A_12 : vector<16xf32> to vector<16xf32>
    tpu.vector_store %arg10[%swap3A_13], %swap3A_16 {strides = array<i32>} : memref<128xf32, #tpu.memory_space<vmem>>, vector<16xf32>,
    %broadcast_in_dim3A_17 = arith.constant 1.000000e+00 : f32
    %broadcast_in_dim3A_18 = vector.broadcast %broadcast_in_dim3A_17 : f32 to vector<16xf32>
    %swap3A_19 = arith.constant 48 : index
    %swap3A_20 = tpu.vector_load %arg10[%swap3A_19] {strides = array<i32>} : memref<128xf32, #tpu.memory_space<vmem>>, vector<16xf32>,
    %swap3A_21 = vector.shape_cast %swap3A_20 : vector<16xf32> to vector<16xf32>
    %swap3A_22 = vector.shape_cast %broadcast_in_dim3A_18 : vector<16xf32> to vector<16xf32>
    tpu.vector_store %arg10[%swap3A_19], %swap3A_22 {strides = array<i32>} : memref<128xf32, #tpu.memory_space<vmem>>, vector<16xf32>,
    %broadcast_in_dim3A_23 = arith.constant 1.000000e+00 : f32
    %broadcast_in_dim3A_24 = vector.broadcast %broadcast_in_dim3A_23 : f32 to vector<16xf32>
    %swap3A_25 = arith.constant 64 : index
    %swap3A_26 = tpu.vector_load %arg10[%swap3A_25] {strides = array<i32>} : memref<128xf32, #tpu.memory_space<vmem>>, vector<16xf32>,
    %swap3A_27 = vector.shape_cast %swap3A_26 : vector<16xf32> to vector<16xf32>
    %swap3A_28 = vector.shape_cast %broadcast_in_dim3A_24 : vector<16xf32> to vector<16xf32>
    tpu.vector_store %arg10[%swap3A_25], %swap3A_28 {strides = array<i32>} : memref<128xf32, #tpu.memory_space<vmem>>, vector<16xf32>,
    %broadcast_in_dim3A_29 = arith.constant 1.000000e+00 : f32
    %broadcast_in_dim3A_30 = vector.broadcast %broadcast_in_dim3A_29 : f32 to vector<16xf32>
    %swap3A_31 = arith.constant 80 : index
    %swap3A_32 = tpu.vector_load %arg10[%swap3A_31] {strides = array<i32>} : memref<128xf32, #tpu.memory_space<vmem>>, vector<16xf32>,
    %swap3A_33 = vector.shape_cast %swap3A_32 : vector<16xf32> to vector<16xf32>
    %swap3A_34 = vector.shape_cast %broadcast_in_dim3A_30 : vector<16xf32> to vector<16xf32>
    tpu.vector_store %arg10[%swap3A_31], %swap3A_34 {strides = array<i32>} : memref<128xf32, #tpu.memory_space<vmem>>, vector<16xf32>,
    %broadcast_in_dim3A_35 = arith.constant 1.000000e+00 : f32
    %broadcast_in_dim3A_36 = vector.broadcast %broadcast_in_dim3A_35 : f32 to vector<16xf32>
    %swap3A_37 = arith.constant 96 : index
    %swap3A_38 = tpu.vector_load %arg10[%swap3A_37] {strides = array<i32>} : memref<128xf32, #tpu.memory_space<vmem>>, vector<16xf32>,
    %swap3A_39 = vector.shape_cast %swap3A_38 : vector<16xf32> to vector<16xf32>
    %swap3A_40 = vector.shape_cast %broadcast_in_dim3A_36 : vector<16xf32> to vector<16xf32>
    tpu.vector_store %arg10[%swap3A_37], %swap3A_40 {strides = array<i32>} : memref<128xf32, #tpu.memory_space<vmem>>, vector<16xf32>,
    %broadcast_in_dim3A_41 = arith.constant 1.000000e+00 : f32
    %broadcast_in_dim3A_42 = vector.broadcast %broadcast_in_dim3A_41 : f32 to vector<16xf32>
    %swap3A_43 = arith.constant 112 : index
    %swap3A_44 = tpu.vector_load %arg10[%swap3A_43] {strides = array<i32>} : memref<128xf32, #tpu.memory_space<vmem>>, vector<16xf32>,
    %swap3A_45 = vector.shape_cast %swap3A_44 : vector<16xf32> to vector<16xf32>
    %swap3A_46 = vector.shape_cast %broadcast_in_dim3A_42 : vector<16xf32> to vector<16xf32>
    tpu.vector_store %arg10[%swap3A_43], %swap3A_46 {strides = array<i32>} : memref<128xf32, #tpu.memory_space<vmem>>, vector<16xf32>,
    %eq3A = arith.constant 0 : i32
    %eq3A_47 = arith.cmpi eq, %arg1, %eq3A : i32
    %convert_element_type3A = arith.extui %eq3A_47 : i1 to i32
    %cond3A = arith.constant 0 : i32
    %cond3A_48 = arith.cmpi ne, %convert_element_type3A, %cond3A : i32
    scf.if %cond3A_48 {
      "tpu.region"() ({
        %run_scoped3A = tpu.sem_alloc : memref<!tpu.dma_semaphore, #tpu.memory_space<semaphore_mem>>
        tpu.enqueue_dma source(%arg3 : memref<16384xf32, #tpu.memory_space<hbm>>) target(%arg15 : memref<16384xf32, #tpu.memory_space<vmem_shared>>) target_semaphore(%run_scoped3A : memref<!tpu.dma_semaphore, #tpu.memory_space<semaphore_mem>>)
        tpu.wait_dma2 semaphore(%run_scoped3A : memref<!tpu.dma_semaphore, #tpu.memory_space<semaphore_mem>>) src(%arg3 : memref<16384xf32, #tpu.memory_space<hbm>>) dst(%arg15 : memref<16384xf32, #tpu.memory_space<vmem_shared>>)
        tpu.yield
      }) : () -> ()
    } else {
    }
    %barrier3A = arith.constant 0 : index
    tpu.barrier barrier_id(%barrier3A)
    %scan3A = arith.constant 0 : i32
    %scan3A_49 = arith.constant 0 : i32
    %scan3A_50 = arith.constant 128 : i32
    %scan3A_51 = arith.addi %scan3A_49, %scan3A_50 : i32
    %scan3A_52 = arith.constant 1 : i32
    scf.for %scan3A_69 = %scan3A_49 to %scan3A_51 step %scan3A_52  : i32 {
      "tpu.region"() ({
        %run_scoped3A = tpu.sem_alloc : memref<!tpu.dma_semaphore, #tpu.memory_space<semaphore_mem>>
        %dma_start3A = arith.constant 0 : i32
        %dma_start3A_70 = tpu.memref_slice %arg9[%scan3A_69, %dma_start3A] : memref<128x128xi32, #tpu.memory_space<vmem>> -> memref<1x128xi32, #tpu.memory_space<vmem>>
        %dma_start3A_71 = tpu.memref_squeeze %dma_start3A_70 : memref<1x128xi32, #tpu.memory_space<vmem>> -> memref<128xi32, #tpu.memory_space<vmem>>
        %dma_start3A_72 = arith.constant 0 : i32
        %dma_start3A_73 = tpu.memref_slice %arg15[%dma_start3A_72] : memref<16384xf32, #tpu.memory_space<vmem_shared>> -> memref<16384xf32, #tpu.memory_space<vmem_shared>>
        tpu.enqueue_indirect_dma source(%arg10 : memref<128xf32, #tpu.memory_space<vmem>>) target(%dma_start3A_73 : memref<16384xf32, #tpu.memory_space<vmem_shared>>) offsets(%dma_start3A_71 : memref<128xi32, #tpu.memory_space<vmem>>) semaphore(%run_scoped3A : memref<!tpu.dma_semaphore, #tpu.memory_space<semaphore_mem>>) {add = true}
        %dma_wait3A = arith.constant 0 : i32
        %dma_wait3A_74 = tpu.memref_slice %arg9[%scan3A_69, %dma_wait3A] : memref<128x128xi32, #tpu.memory_space<vmem>> -> memref<1x128xi32, #tpu.memory_space<vmem>>
        %dma_wait3A_75 = tpu.memref_squeeze %dma_wait3A_74 : memref<1x128xi32, #tpu.memory_space<vmem>> -> memref<128xi32, #tpu.memory_space<vmem>>
        %dma_wait3A_76 = arith.constant 0 : i32
        %dma_wait3A_77 = tpu.memref_slice %arg15[%dma_wait3A_76] : memref<16384xf32, #tpu.memory_space<vmem_shared>> -> memref<16384xf32, #tpu.memory_space<vmem_shared>>
        tpu.wait_indirect_dma semaphore(%run_scoped3A : memref<!tpu.dma_semaphore, #tpu.memory_space<semaphore_mem>>) src(%arg10 : memref<128xf32, #tpu.memory_space<vmem>>) dst(%dma_wait3A_77 : memref<16384xf32, #tpu.memory_space<vmem_shared>>)
        tpu.yield
      }) : () -> ()
    }
    %scan3A_53 = arith.constant 128 : i32
    %barrier3A_54 = arith.constant 0 : index
    tpu.barrier barrier_id(%barrier3A_54)
    %mul3A_55 = arith.constant 1024 : i32
    %mul3A_56 = arith.muli %arg1, %mul3A_55 : i32
    "tpu.region"() ({
      %run_scoped3A = tpu.sem_alloc : memref<!tpu.dma_semaphore, #tpu.memory_space<semaphore_mem>>
      %dma_start3A = tpu.memref_slice %arg15[%mul3A_56] : memref<16384xf32, #tpu.memory_space<vmem_shared>> -> memref<1024xf32, #tpu.memory_space<vmem_shared>>
      %dma_start3A_69 = tpu.memref_slice %arg15[%mul3A_56] : memref<16384xf32, #tpu.memory_space<vmem_shared>> -> memref<1024xf32, #tpu.memory_space<vmem_shared>>
      tpu.enqueue_dma source(%dma_start3A_69 : memref<1024xf32, #tpu.memory_space<vmem_shared>>) target(%arg12 : memref<1024xf32, #tpu.memory_space<vmem>>) target_semaphore(%run_scoped3A : memref<!tpu.dma_semaphore, #tpu.memory_space<semaphore_mem>>)
      %dma_wait3A = tpu.memref_slice %arg15[%mul3A_56] : memref<16384xf32, #tpu.memory_space<vmem_shared>> -> memref<1024xf32, #tpu.memory_space<vmem_shared>>
      %dma_wait3A_70 = tpu.memref_slice %arg15[%mul3A_56] : memref<16384xf32, #tpu.memory_space<vmem_shared>> -> memref<1024xf32, #tpu.memory_space<vmem_shared>>
      tpu.wait_dma2 semaphore(%run_scoped3A : memref<!tpu.dma_semaphore, #tpu.memory_space<semaphore_mem>>) src(%dma_wait3A_70 : memref<1024xf32, #tpu.memory_space<vmem_shared>>) dst(%arg12 : memref<1024xf32, #tpu.memory_space<vmem>>)
      tpu.yield
    }) : () -> ()
    "tpu.region"() ({
      %run_scoped3A = tpu.sem_alloc : memref<!tpu.dma_semaphore, #tpu.memory_space<semaphore_mem>>
      %dma_start3A = tpu.memref_slice %arg5[%mul3A_56] : memref<16384xf32, #tpu.memory_space<hbm>> -> memref<1024xf32, #tpu.memory_space<hbm>>
      %dma_start3A_69 = tpu.memref_slice %arg5[%mul3A_56] : memref<16384xf32, #tpu.memory_space<hbm>> -> memref<1024xf32, #tpu.memory_space<hbm>>
      tpu.enqueue_dma source(%dma_start3A_69 : memref<1024xf32, #tpu.memory_space<hbm>>) target(%arg13 : memref<1024xf32, #tpu.memory_space<vmem>>) target_semaphore(%run_scoped3A : memref<!tpu.dma_semaphore, #tpu.memory_space<semaphore_mem>>)
      %dma_wait3A = tpu.memref_slice %arg5[%mul3A_56] : memref<16384xf32, #tpu.memory_space<hbm>> -> memref<1024xf32, #tpu.memory_space<hbm>>
      %dma_wait3A_70 = tpu.memref_slice %arg5[%mul3A_56] : memref<16384xf32, #tpu.memory_space<hbm>> -> memref<1024xf32, #tpu.memory_space<hbm>>
      tpu.wait_dma2 semaphore(%run_scoped3A : memref<!tpu.dma_semaphore, #tpu.memory_space<semaphore_mem>>) src(%dma_wait3A_70 : memref<1024xf32, #tpu.memory_space<hbm>>) dst(%arg13 : memref<1024xf32, #tpu.memory_space<vmem>>)
      tpu.yield
    }) : () -> ()
    "tpu.region"() ({
      %run_scoped3A = tpu.sem_alloc : memref<!tpu.dma_semaphore, #tpu.memory_space<semaphore_mem>>
      %dma_start3A = tpu.memref_slice %arg6[%mul3A_56] : memref<16384xi32, #tpu.memory_space<hbm>> -> memref<1024xi32, #tpu.memory_space<hbm>>
      %dma_start3A_69 = tpu.memref_slice %arg6[%mul3A_56] : memref<16384xi32, #tpu.memory_space<hbm>> -> memref<1024xi32, #tpu.memory_space<hbm>>
      tpu.enqueue_dma source(%dma_start3A_69 : memref<1024xi32, #tpu.memory_space<hbm>>) target(%arg14 : memref<1024xi32, #tpu.memory_space<vmem>>) target_semaphore(%run_scoped3A : memref<!tpu.dma_semaphore, #tpu.memory_space<semaphore_mem>>)
      %dma_wait3A = tpu.memref_slice %arg6[%mul3A_56] : memref<16384xi32, #tpu.memory_space<hbm>> -> memref<1024xi32, #tpu.memory_space<hbm>>
      %dma_wait3A_70 = tpu.memref_slice %arg6[%mul3A_56] : memref<16384xi32, #tpu.memory_space<hbm>> -> memref<1024xi32, #tpu.memory_space<hbm>>
      tpu.wait_dma2 semaphore(%run_scoped3A : memref<!tpu.dma_semaphore, #tpu.memory_space<semaphore_mem>>) src(%dma_wait3A_70 : memref<1024xi32, #tpu.memory_space<hbm>>) dst(%arg14 : memref<1024xi32, #tpu.memory_space<vmem>>)
      tpu.yield
    }) : () -> ()
    %get3A = arith.constant 0 : index
    %get3A_57 = tpu.vector_load %arg11[%get3A] {strides = array<i32>} : memref<32xf32, #tpu.memory_space<vmem>>, vector<16xf32>,
    %get3A_58 = vector.shape_cast %get3A_57 : vector<16xf32> to vector<16xf32>
    %get3A_59 = arith.constant 16 : index
    %get3A_60 = tpu.vector_load %arg11[%get3A_59] {strides = array<i32>} : memref<32xf32, #tpu.memory_space<vmem>>, vector<16xf32>,
    %get3A_61 = vector.shape_cast %get3A_60 : vector<16xf32> to vector<16xf32>
    %scan3A_62 = arith.constant 0 : i32
    %scan3A_63 = arith.constant 2.44140625E-4 : f32
    %scan3A_64 = arith.constant 0 : i32
    %scan3A_65 = arith.constant 64 : i32
    %scan3A_66 = arith.addi %scan3A_64, %scan3A_65 : i32
    %scan3A_67 = arith.constant 1 : i32
    scf.for %scan3A_69 = %scan3A_64 to %scan3A_66 step %scan3A_67  : i32 {
      %mul3A_70 = arith.constant 16 : i32
      %mul3A_71 = arith.muli %scan3A_69, %mul3A_70 : i32
      %get3A_72 = arith.index_cast %mul3A_71 : i32 to index
      %get3A_73 = tpu.vector_load %arg12[%get3A_72] {strides = array<i32>} : memref<1024xf32, #tpu.memory_space<vmem>>, vector<16xf32>,
      %get3A_74 = vector.shape_cast %get3A_73 : vector<16xf32> to vector<16xf32>
      %get3A_75 = arith.index_cast %mul3A_71 : i32 to index
      %get3A_76 = tpu.vector_load %arg13[%get3A_75] {strides = array<i32>} : memref<1024xf32, #tpu.memory_space<vmem>>, vector<16xf32>,
      %get3A_77 = vector.shape_cast %get3A_76 : vector<16xf32> to vector<16xf32>
      %mul3A_78 = arith.mulf %get3A_77, %get3A_58 : vector<16xf32>
      %mul3A_79 = vector.broadcast %scan3A_63 : f32 to vector<16xf32>
      %mul3A_80 = arith.mulf %get3A_74, %mul3A_79 : vector<16xf32>
      %mul3A_81 = arith.mulf %mul3A_80, %get3A_61 : vector<16xf32>
      %add3A = arith.addf %mul3A_78, %mul3A_81 : vector<16xf32>
      %swap3A_82 = arith.index_cast %mul3A_71 : i32 to index
      %swap3A_83 = tpu.vector_load %arg13[%swap3A_82] {strides = array<i32>} : memref<1024xf32, #tpu.memory_space<vmem>>, vector<16xf32>,
      %swap3A_84 = vector.shape_cast %swap3A_83 : vector<16xf32> to vector<16xf32>
      %swap3A_85 = vector.shape_cast %add3A : vector<16xf32> to vector<16xf32>
      tpu.vector_store %arg13[%swap3A_82], %swap3A_85 {strides = array<i32>} : memref<1024xf32, #tpu.memory_space<vmem>>, vector<16xf32>,
      %gt3A = arith.constant 0.000000e+00 : f32
      %gt3A_86 = vector.broadcast %gt3A : f32 to vector<16xf32>
      %gt3A_87 = arith.cmpf ogt, %get3A_74, %gt3A_86 : vector<16xf32>
      %get3A_88 = arith.index_cast %mul3A_71 : i32 to index
      %get3A_89 = tpu.vector_load %arg14[%get3A_88] {strides = array<i32>} : memref<1024xi32, #tpu.memory_space<vmem>>, vector<16xi32>,
      %get3A_90 = vector.shape_cast %get3A_89 : vector<16xi32> to vector<16xi32>
      %add3A_91 = arith.constant 1 : i32
      %add3A_92 = vector.broadcast %add3A_91 : i32 to vector<16xi32>
      %add3A_93 = arith.addi %get3A_90, %add3A_92 : vector<16xi32>
      %jit3A = arith.constant 0 : i32
      %broadcast_in_dim3A_94 = vector.broadcast %jit3A : i32 to vector<16xi32>
      %select_n3A = arith.select %gt3A_87, %broadcast_in_dim3A_94, %add3A_93 : vector<16xi1>, vector<16xi32>
      %swap3A_95 = arith.index_cast %mul3A_71 : i32 to index
      %swap3A_96 = tpu.vector_load %arg14[%swap3A_95] {strides = array<i32>} : memref<1024xi32, #tpu.memory_space<vmem>>, vector<16xi32>,
      %swap3A_97 = vector.shape_cast %swap3A_96 : vector<16xi32> to vector<16xi32>
      %swap3A_98 = vector.shape_cast %select_n3A : vector<16xi32> to vector<16xi32>
      tpu.vector_store %arg14[%swap3A_95], %swap3A_98 {strides = array<i32>} : memref<1024xi32, #tpu.memory_space<vmem>>, vector<16xi32>,
    }
    %scan3A_68 = arith.constant 64 : i32
    "tpu.region"() ({
      %run_scoped3A = tpu.sem_alloc : memref<!tpu.dma_semaphore, #tpu.memory_space<semaphore_mem>>
      %dma_start3A = tpu.memref_slice %arg7[%mul3A_56] : memref<16384xf32, #tpu.memory_space<hbm>> -> memref<1024xf32, #tpu.memory_space<hbm>>
      %dma_start3A_69 = tpu.memref_slice %arg7[%mul3A_56] : memref<16384xf32, #tpu.memory_space<hbm>> -> memref<1024xf32, #tpu.memory_space<hbm>>
      tpu.enqueue_dma source(%arg13 : memref<1024xf32, #tpu.memory_space<vmem>>) target(%dma_start3A_69 : memref<1024xf32, #tpu.memory_space<hbm>>) target_semaphore(%run_scoped3A : memref<!tpu.dma_semaphore, #tpu.memory_space<semaphore_mem>>)
      %dma_wait3A = tpu.memref_slice %arg7[%mul3A_56] : memref<16384xf32, #tpu.memory_space<hbm>> -> memref<1024xf32, #tpu.memory_space<hbm>>
      %dma_wait3A_70 = tpu.memref_slice %arg7[%mul3A_56] : memref<16384xf32, #tpu.memory_space<hbm>> -> memref<1024xf32, #tpu.memory_space<hbm>>
      tpu.wait_dma2 semaphore(%run_scoped3A : memref<!tpu.dma_semaphore, #tpu.memory_space<semaphore_mem>>) src(%arg13 : memref<1024xf32, #tpu.memory_space<vmem>>) dst(%dma_wait3A_70 : memref<1024xf32, #tpu.memory_space<hbm>>)
      tpu.yield
    }) : () -> ()
    "tpu.region"() ({
      %run_scoped3A = tpu.sem_alloc : memref<!tpu.dma_semaphore, #tpu.memory_space<semaphore_mem>>
      %dma_start3A = tpu.memref_slice %arg8[%mul3A_56] : memref<16384xi32, #tpu.memory_space<hbm>> -> memref<1024xi32, #tpu.memory_space<hbm>>
      %dma_start3A_69 = tpu.memref_slice %arg8[%mul3A_56] : memref<16384xi32, #tpu.memory_space<hbm>> -> memref<1024xi32, #tpu.memory_space<hbm>>
      tpu.enqueue_dma source(%arg14 : memref<1024xi32, #tpu.memory_space<vmem>>) target(%dma_start3A_69 : memref<1024xi32, #tpu.memory_space<hbm>>) target_semaphore(%run_scoped3A : memref<!tpu.dma_semaphore, #tpu.memory_space<semaphore_mem>>)
      %dma_wait3A = tpu.memref_slice %arg8[%mul3A_56] : memref<16384xi32, #tpu.memory_space<hbm>> -> memref<1024xi32, #tpu.memory_space<hbm>>
      %dma_wait3A_70 = tpu.memref_slice %arg8[%mul3A_56] : memref<16384xi32, #tpu.memory_space<hbm>> -> memref<1024xi32, #tpu.memory_space<hbm>>
      tpu.wait_dma2 semaphore(%run_scoped3A : memref<!tpu.dma_semaphore, #tpu.memory_space<semaphore_mem>>) src(%arg14 : memref<1024xi32, #tpu.memory_space<vmem>>) dst(%dma_wait3A_70 : memref<1024xi32, #tpu.memory_space<hbm>>)
      tpu.yield
    }) : () -> ()
    return
  }
}

module attributes {stable_mosaic.version = 14 : i64} {
  func.func @_reduce_body(%arg0: i32, %arg1: memref<4xf32, #tpu.memory_space<smem>>, %arg2: memref<128x1024xf32, #tpu.memory_space<vmem>>, %arg3: memref<32x16384xf32, #tpu.memory_space<vmem>>, %arg4: memref<512x1024xf32, #tpu.memory_space<vmem>>, %arg5: memref<32x16384xf32, #tpu.memory_space<vmem>>, %arg6: memref<512x1024xf32, #tpu.memory_space<vmem>>, %arg7: memref<8x128xf32, #tpu.memory_space<vmem>>, %arg8: memref<8x128xf32, #tpu.memory_space<vmem>>) attributes {dimension_semantics = [#tpu.dimension_semantics<arbitrary>], iteration_bounds = array<i64: 32>, scalar_prefetch = 0 : i64, scratch_operands = 1 : i64, tpu.core_type = #tpu.core_type<tc>, window_params = [{transform_indices = @transform_0, window_bounds = array<i64: 4>}, {transform_indices = @transform_1, window_bounds = array<i64: 128, 1024>}, {transform_indices = @transform_2, window_bounds = array<i64: 32, 16384>}, {transform_indices = @transform_3, window_bounds = array<i64: 512, 1024>}, {transform_indices = @transform_4, window_bounds = array<i64: 32, 16384>}, {transform_indices = @transform_5, window_bounds = array<i64: 512, 1024>}, {pipeline_mode = #tpu.pipeline_mode<synchronous>, transform_indices = @transform_6, window_bounds = array<i64: 8, 128>}]} {
    %eq3A = arith.constant 0 : i32
    %eq3A_0 = arith.cmpi eq, %arg0, %eq3A : i32
    %convert_element_type3A = arith.extui %eq3A_0 : i1 to i32
    %cond3A = arith.constant 0 : i32
    %cond3A_1 = arith.cmpi ne, %convert_element_type3A, %cond3A : i32
    scf.if %cond3A_1 {
      %broadcast_in_dim3A = arith.constant 0.000000e+00 : f32
      %broadcast_in_dim3A_96 = vector.broadcast %broadcast_in_dim3A : f32 to vector<8x128xf32>
      %swap3A_97 = arith.constant 0 : index
      %swap3A_98 = arith.constant 0 : index
      %swap3A_99 = vector.load %arg8[%swap3A_97, %swap3A_98] : memref<8x128xf32, #tpu.memory_space<vmem>>, vector<8x128xf32>
      tpu.vector_store %arg8[%swap3A_97, %swap3A_98], %broadcast_in_dim3A_96 {strides = array<i32>} : memref<8x128xf32, #tpu.memory_space<vmem>>, vector<8x128xf32>,
    } else {
    }
    %get3A = arith.constant 0 : index
    %get3A_2 = arith.constant 0 : index
    %get3A_3 = vector.load %arg2[%get3A, %get3A_2] : memref<128x1024xf32, #tpu.memory_space<vmem>>, vector<128x1024xf32>
    %mul3A = arith.mulf %get3A_3, %get3A_3 : vector<128x1024xf32>
    %reduce_sum3A = arith.constant dense<0.000000e+00> : vector<128xf32>
    %reduce_sum3A_4 = vector.multi_reduction <add>, %mul3A, %reduce_sum3A [1] : vector<128x1024xf32> to vector<128xf32>
    %sqrt3A = math.sqrt %reduce_sum3A_4 : vector<128xf32>
    %get3A_5 = arith.constant 0 : index
    %get3A_6 = arith.constant 0 : index
    %get3A_7 = vector.load %arg8[%get3A_5, %get3A_6] : memref<8x128xf32, #tpu.memory_space<vmem>>, vector<1x128xf32>
    %get3A_8 = vector.shape_cast %get3A_7 : vector<1x128xf32> to vector<128xf32>
    %reshape3A = vector.shape_cast %sqrt3A : vector<128xf32> to vector<1x128xf32>
    %reduce_sum3A_9 = arith.constant dense<0.000000e+00> : vector<128xf32>
    %reduce_sum3A_10 = vector.multi_reduction <add>, %reshape3A, %reduce_sum3A_9 [0] : vector<1x128xf32> to vector<128xf32>
    %add3A = arith.addf %get3A_8, %reduce_sum3A_10 : vector<128xf32>
    %swap3A = arith.constant 0 : index
    %swap3A_11 = arith.constant 0 : index
    %swap3A_12 = vector.load %arg8[%swap3A, %swap3A_11] : memref<8x128xf32, #tpu.memory_space<vmem>>, vector<1x128xf32>
    %swap3A_13 = vector.shape_cast %swap3A_12 : vector<1x128xf32> to vector<128xf32>
    %swap3A_14 = vector.shape_cast %add3A : vector<128xf32> to vector<1x128xf32>
    tpu.vector_store %arg8[%swap3A, %swap3A_11], %swap3A_14 {strides = array<i32>} : memref<8x128xf32, #tpu.memory_space<vmem>>, vector<1x128xf32>,
    %get3A_15 = arith.constant 1 : index
    %get3A_16 = arith.constant 0 : index
    %get3A_17 = vector.load %arg8[%get3A_15, %get3A_16] : memref<8x128xf32, #tpu.memory_space<vmem>>, vector<1x128xf32>
    %get3A_18 = vector.shape_cast %get3A_17 : vector<1x128xf32> to vector<128xf32>
    %get3A_19 = arith.constant 0 : index
    %get3A_20 = arith.constant 0 : index
    %get3A_21 = vector.load %arg3[%get3A_19, %get3A_20] : memref<32x16384xf32, #tpu.memory_space<vmem>>, vector<32x16384xf32>
    %mul3A_22 = arith.mulf %get3A_21, %get3A_21 : vector<32x16384xf32>
    %reduce_sum3A_23 = arith.constant dense<0.000000e+00> : vector<16384xf32>
    %reduce_sum3A_24 = vector.multi_reduction <add>, %mul3A_22, %reduce_sum3A_23 [0] : vector<32x16384xf32> to vector<16384xf32>
    %reshape3A_25 = vector.shape_cast %reduce_sum3A_24 : vector<16384xf32> to vector<128x128xf32>
    %reduce_sum3A_26 = arith.constant dense<0.000000e+00> : vector<128xf32>
    %reduce_sum3A_27 = vector.multi_reduction <add>, %reshape3A_25, %reduce_sum3A_26 [0] : vector<128x128xf32> to vector<128xf32>
    %add3A_28 = arith.addf %get3A_18, %reduce_sum3A_27 : vector<128xf32>
    %swap3A_29 = arith.constant 1 : index
    %swap3A_30 = arith.constant 0 : index
    %swap3A_31 = vector.load %arg8[%swap3A_29, %swap3A_30] : memref<8x128xf32, #tpu.memory_space<vmem>>, vector<1x128xf32>
    %swap3A_32 = vector.shape_cast %swap3A_31 : vector<1x128xf32> to vector<128xf32>
    %swap3A_33 = vector.shape_cast %add3A_28 : vector<128xf32> to vector<1x128xf32>
    tpu.vector_store %arg8[%swap3A_29, %swap3A_30], %swap3A_33 {strides = array<i32>} : memref<8x128xf32, #tpu.memory_space<vmem>>, vector<1x128xf32>,
    %get3A_34 = arith.constant 2 : index
    %get3A_35 = arith.constant 0 : index
    %get3A_36 = vector.load %arg8[%get3A_34, %get3A_35] : memref<8x128xf32, #tpu.memory_space<vmem>>, vector<1x128xf32>
    %get3A_37 = vector.shape_cast %get3A_36 : vector<1x128xf32> to vector<128xf32>
    %get3A_38 = arith.constant 0 : index
    %get3A_39 = arith.constant 0 : index
    %get3A_40 = vector.load %arg4[%get3A_38, %get3A_39] : memref<512x1024xf32, #tpu.memory_space<vmem>>, vector<512x1024xf32>
    %mul3A_41 = arith.mulf %get3A_40, %get3A_40 : vector<512x1024xf32>
    %reduce_sum3A_42 = arith.constant dense<0.000000e+00> : vector<1024xf32>
    %reduce_sum3A_43 = vector.multi_reduction <add>, %mul3A_41, %reduce_sum3A_42 [0] : vector<512x1024xf32> to vector<1024xf32>
    %reshape3A_44 = vector.shape_cast %reduce_sum3A_43 : vector<1024xf32> to vector<8x128xf32>
    %reduce_sum3A_45 = arith.constant dense<0.000000e+00> : vector<128xf32>
    %reduce_sum3A_46 = vector.multi_reduction <add>, %reshape3A_44, %reduce_sum3A_45 [0] : vector<8x128xf32> to vector<128xf32>
    %add3A_47 = arith.addf %get3A_37, %reduce_sum3A_46 : vector<128xf32>
    %swap3A_48 = arith.constant 2 : index
    %swap3A_49 = arith.constant 0 : index
    %swap3A_50 = vector.load %arg8[%swap3A_48, %swap3A_49] : memref<8x128xf32, #tpu.memory_space<vmem>>, vector<1x128xf32>
    %swap3A_51 = vector.shape_cast %swap3A_50 : vector<1x128xf32> to vector<128xf32>
    %swap3A_52 = vector.shape_cast %add3A_47 : vector<128xf32> to vector<1x128xf32>
    tpu.vector_store %arg8[%swap3A_48, %swap3A_49], %swap3A_52 {strides = array<i32>} : memref<8x128xf32, #tpu.memory_space<vmem>>, vector<1x128xf32>,
    %get3A_53 = arith.constant 3 : index
    %get3A_54 = arith.constant 0 : index
    %get3A_55 = vector.load %arg8[%get3A_53, %get3A_54] : memref<8x128xf32, #tpu.memory_space<vmem>>, vector<1x128xf32>
    %get3A_56 = vector.shape_cast %get3A_55 : vector<1x128xf32> to vector<128xf32>
    %get3A_57 = arith.constant 0 : index
    %get3A_58 = arith.constant 0 : index
    %get3A_59 = vector.load %arg5[%get3A_57, %get3A_58] : memref<32x16384xf32, #tpu.memory_space<vmem>>, vector<32x16384xf32>
    %mul3A_60 = arith.mulf %get3A_59, %get3A_59 : vector<32x16384xf32>
    %reduce_sum3A_61 = arith.constant dense<0.000000e+00> : vector<16384xf32>
    %reduce_sum3A_62 = vector.multi_reduction <add>, %mul3A_60, %reduce_sum3A_61 [0] : vector<32x16384xf32> to vector<16384xf32>
    %reshape3A_63 = vector.shape_cast %reduce_sum3A_62 : vector<16384xf32> to vector<128x128xf32>
    %reduce_sum3A_64 = arith.constant dense<0.000000e+00> : vector<128xf32>
    %reduce_sum3A_65 = vector.multi_reduction <add>, %reshape3A_63, %reduce_sum3A_64 [0] : vector<128x128xf32> to vector<128xf32>
    %add3A_66 = arith.addf %get3A_56, %reduce_sum3A_65 : vector<128xf32>
    %swap3A_67 = arith.constant 3 : index
    %swap3A_68 = arith.constant 0 : index
    %swap3A_69 = vector.load %arg8[%swap3A_67, %swap3A_68] : memref<8x128xf32, #tpu.memory_space<vmem>>, vector<1x128xf32>
    %swap3A_70 = vector.shape_cast %swap3A_69 : vector<1x128xf32> to vector<128xf32>
    %swap3A_71 = vector.shape_cast %add3A_66 : vector<128xf32> to vector<1x128xf32>
    tpu.vector_store %arg8[%swap3A_67, %swap3A_68], %swap3A_71 {strides = array<i32>} : memref<8x128xf32, #tpu.memory_space<vmem>>, vector<1x128xf32>,
    %get3A_72 = arith.constant 4 : index
    %get3A_73 = arith.constant 0 : index
    %get3A_74 = vector.load %arg8[%get3A_72, %get3A_73] : memref<8x128xf32, #tpu.memory_space<vmem>>, vector<1x128xf32>
    %get3A_75 = vector.shape_cast %get3A_74 : vector<1x128xf32> to vector<128xf32>
    %get3A_76 = arith.constant 0 : index
    %get3A_77 = arith.constant 0 : index
    %get3A_78 = vector.load %arg6[%get3A_76, %get3A_77] : memref<512x1024xf32, #tpu.memory_space<vmem>>, vector<512x1024xf32>
    %mul3A_79 = arith.mulf %get3A_78, %get3A_78 : vector<512x1024xf32>
    %reduce_sum3A_80 = arith.constant dense<0.000000e+00> : vector<1024xf32>
    %reduce_sum3A_81 = vector.multi_reduction <add>, %mul3A_79, %reduce_sum3A_80 [0] : vector<512x1024xf32> to vector<1024xf32>
    %reshape3A_82 = vector.shape_cast %reduce_sum3A_81 : vector<1024xf32> to vector<8x128xf32>
    %reduce_sum3A_83 = arith.constant dense<0.000000e+00> : vector<128xf32>
    %reduce_sum3A_84 = vector.multi_reduction <add>, %reshape3A_82, %reduce_sum3A_83 [0] : vector<8x128xf32> to vector<128xf32>
    %add3A_85 = arith.addf %get3A_75, %reduce_sum3A_84 : vector<128xf32>
    %swap3A_86 = arith.constant 4 : index
    %swap3A_87 = arith.constant 0 : index
    %swap3A_88 = vector.load %arg8[%swap3A_86, %swap3A_87] : memref<8x128xf32, #tpu.memory_space<vmem>>, vector<1x128xf32>
    %swap3A_89 = vector.shape_cast %swap3A_88 : vector<1x128xf32> to vector<128xf32>
    %swap3A_90 = vector.shape_cast %add3A_85 : vector<128xf32> to vector<1x128xf32>
    tpu.vector_store %arg8[%swap3A_86, %swap3A_87], %swap3A_90 {strides = array<i32>} : memref<8x128xf32, #tpu.memory_space<vmem>>, vector<1x128xf32>,
    %eq3A_91 = arith.constant 31 : i32
    %eq3A_92 = arith.cmpi eq, %arg0, %eq3A_91 : i32
    %convert_element_type3A_93 = arith.extui %eq3A_92 : i1 to i32
    %cond3A_94 = arith.constant 0 : i32
    %cond3A_95 = arith.cmpi ne, %convert_element_type3A_93, %cond3A_94 : i32
    scf.if %cond3A_95 {
      %get3A_96 = arith.constant 0 : index
      %get3A_97 = memref.load %arg1[%get3A_96] : memref<4xf32, #tpu.memory_space<smem>>
      %get3A_98 = arith.constant 1 : index
      %get3A_99 = memref.load %arg1[%get3A_98] : memref<4xf32, #tpu.memory_space<smem>>
      %get3A_100 = arith.constant 2 : index
      %get3A_101 = memref.load %arg1[%get3A_100] : memref<4xf32, #tpu.memory_space<smem>>
      %get3A_102 = arith.constant 3 : index
      %get3A_103 = memref.load %arg1[%get3A_102] : memref<4xf32, #tpu.memory_space<smem>>
      %get3A_104 = arith.constant 0 : index
      %get3A_105 = arith.constant 0 : index
      %get3A_106 = vector.load %arg8[%get3A_104, %get3A_105] : memref<8x128xf32, #tpu.memory_space<vmem>>, vector<8x128xf32>
      %reduce_sum3A_107 = arith.constant dense<0.000000e+00> : vector<8xf32>
      %reduce_sum3A_108 = vector.multi_reduction <add>, %get3A_106, %reduce_sum3A_107 [1] : vector<8x128xf32> to vector<8xf32>
      %broadcast_in_dim3A = vector.shape_cast %reduce_sum3A_108 : vector<8xf32> to vector<8x1xf32>
      %slice3A = vector.extract_strided_slice %broadcast_in_dim3A {offsets = [0, 0], sizes = [1, 1], strides = [1, 1]} : vector<8x1xf32> to vector<1x1xf32>
      %slice3A_109 = vector.extract_strided_slice %broadcast_in_dim3A {offsets = [1, 0], sizes = [1, 1], strides = [1, 1]} : vector<8x1xf32> to vector<1x1xf32>
      %slice3A_110 = vector.extract_strided_slice %broadcast_in_dim3A {offsets = [2, 0], sizes = [1, 1], strides = [1, 1]} : vector<8x1xf32> to vector<1x1xf32>
      %slice3A_111 = vector.extract_strided_slice %broadcast_in_dim3A {offsets = [3, 0], sizes = [1, 1], strides = [1, 1]} : vector<8x1xf32> to vector<1x1xf32>
      %slice3A_112 = vector.extract_strided_slice %broadcast_in_dim3A {offsets = [4, 0], sizes = [1, 1], strides = [1, 1]} : vector<8x1xf32> to vector<1x1xf32>
      %mul3A_113 = arith.mulf %get3A_101, %get3A_97 : f32
      %div3A = arith.constant 4.096000e+03 : f32
      %div3A_114 = vector.broadcast %div3A : f32 to vector<1x1xf32>
      %div3A_115 = arith.divf %slice3A, %div3A_114 : vector<1x1xf32>
      %mul3A_116 = vector.broadcast %get3A_99 : f32 to vector<1x1xf32>
      %mul3A_117 = arith.mulf %div3A_115, %mul3A_116 : vector<1x1xf32>
      %add3A_118 = vector.broadcast %mul3A_113 : f32 to vector<1x1xf32>
      %add3A_119 = arith.addf %add3A_118, %mul3A_117 : vector<1x1xf32>
      %add3A_120 = arith.addf %slice3A_111, %slice3A_112 : vector<1x1xf32>
      %sqrt3A_121 = math.sqrt %add3A_120 : vector<1x1xf32>
      %mul3A_122 = arith.mulf %get3A_103, %get3A_97 : f32
      %gt3A = arith.constant 1.000000e+00 : f32
      %gt3A_123 = vector.broadcast %gt3A : f32 to vector<1x1xf32>
      %gt3A_124 = arith.cmpf ogt, %sqrt3A_121, %gt3A_123 : vector<1x1xf32>
      %convert_element_type3A_125 = arith.extui %gt3A_124 : vector<1x1xi1> to vector<1x1xi32>
      %convert_element_type3A_126 = arith.sitofp %convert_element_type3A_125 : vector<1x1xi32> to vector<1x1xf32>
      %mul3A_127 = vector.broadcast %get3A_99 : f32 to vector<1x1xf32>
      %mul3A_128 = arith.mulf %convert_element_type3A_126, %mul3A_127 : vector<1x1xf32>
      %add3A_129 = vector.broadcast %mul3A_122 : f32 to vector<1x1xf32>
      %add3A_130 = arith.addf %add3A_129, %mul3A_128 : vector<1x1xf32>
      %broadcast_in_dim3A_131 = vector.shape_cast %add3A_119 : vector<1x1xf32> to vector<1x1xf32>
      %broadcast_in_dim3A_132 = vector.broadcast %broadcast_in_dim3A_131 : vector<1x1xf32> to vector<1x128xf32>
      %swap3A_133 = arith.constant 0 : index
      %swap3A_134 = arith.constant 0 : index
      %swap3A_135 = vector.load %arg7[%swap3A_133, %swap3A_134] : memref<8x128xf32, #tpu.memory_space<vmem>>, vector<1x128xf32>
      tpu.vector_store %arg7[%swap3A_133, %swap3A_134], %broadcast_in_dim3A_132 {strides = array<i32>} : memref<8x128xf32, #tpu.memory_space<vmem>>, vector<1x128xf32>,
      %broadcast_in_dim3A_136 = vector.shape_cast %add3A_130 : vector<1x1xf32> to vector<1x1xf32>
      %broadcast_in_dim3A_137 = vector.broadcast %broadcast_in_dim3A_136 : vector<1x1xf32> to vector<1x128xf32>
      %swap3A_138 = arith.constant 1 : index
      %swap3A_139 = arith.constant 0 : index
      %swap3A_140 = vector.load %arg7[%swap3A_138, %swap3A_139] : memref<8x128xf32, #tpu.memory_space<vmem>>, vector<1x128xf32>
      tpu.vector_store %arg7[%swap3A_138, %swap3A_139], %broadcast_in_dim3A_137 {strides = array<i32>} : memref<8x128xf32, #tpu.memory_space<vmem>>, vector<1x128xf32>,
      %sqrt3A_141 = math.sqrt %slice3A_109 : vector<1x1xf32>
      %broadcast_in_dim3A_142 = vector.shape_cast %sqrt3A_141 : vector<1x1xf32> to vector<1x1xf32>
      %broadcast_in_dim3A_143 = vector.broadcast %broadcast_in_dim3A_142 : vector<1x1xf32> to vector<1x128xf32>
      %swap3A_144 = arith.constant 2 : index
      %swap3A_145 = arith.constant 0 : index
      %swap3A_146 = vector.load %arg7[%swap3A_144, %swap3A_145] : memref<8x128xf32, #tpu.memory_space<vmem>>, vector<1x128xf32>
      tpu.vector_store %arg7[%swap3A_144, %swap3A_145], %broadcast_in_dim3A_143 {strides = array<i32>} : memref<8x128xf32, #tpu.memory_space<vmem>>, vector<1x128xf32>,
      %sqrt3A_147 = math.sqrt %slice3A_110 : vector<1x1xf32>
      %broadcast_in_dim3A_148 = vector.shape_cast %sqrt3A_147 : vector<1x1xf32> to vector<1x1xf32>
      %broadcast_in_dim3A_149 = vector.broadcast %broadcast_in_dim3A_148 : vector<1x1xf32> to vector<1x128xf32>
      %swap3A_150 = arith.constant 3 : index
      %swap3A_151 = arith.constant 0 : index
      %swap3A_152 = vector.load %arg7[%swap3A_150, %swap3A_151] : memref<8x128xf32, #tpu.memory_space<vmem>>, vector<1x128xf32>
      tpu.vector_store %arg7[%swap3A_150, %swap3A_151], %broadcast_in_dim3A_149 {strides = array<i32>} : memref<8x128xf32, #tpu.memory_space<vmem>>, vector<1x128xf32>,
      %sqrt3A_153 = math.sqrt %slice3A_111 : vector<1x1xf32>
      %broadcast_in_dim3A_154 = vector.shape_cast %sqrt3A_153 : vector<1x1xf32> to vector<1x1xf32>
      %broadcast_in_dim3A_155 = vector.broadcast %broadcast_in_dim3A_154 : vector<1x1xf32> to vector<1x128xf32>
      %swap3A_156 = arith.constant 4 : index
      %swap3A_157 = arith.constant 0 : index
      %swap3A_158 = vector.load %arg7[%swap3A_156, %swap3A_157] : memref<8x128xf32, #tpu.memory_space<vmem>>, vector<1x128xf32>
      tpu.vector_store %arg7[%swap3A_156, %swap3A_157], %broadcast_in_dim3A_155 {strides = array<i32>} : memref<8x128xf32, #tpu.memory_space<vmem>>, vector<1x128xf32>,
      %sqrt3A_159 = math.sqrt %slice3A_112 : vector<1x1xf32>
      %broadcast_in_dim3A_160 = vector.shape_cast %sqrt3A_159 : vector<1x1xf32> to vector<1x1xf32>
      %broadcast_in_dim3A_161 = vector.broadcast %broadcast_in_dim3A_160 : vector<1x1xf32> to vector<1x128xf32>
      %swap3A_162 = arith.constant 5 : index
      %swap3A_163 = arith.constant 0 : index
      %swap3A_164 = vector.load %arg7[%swap3A_162, %swap3A_163] : memref<8x128xf32, #tpu.memory_space<vmem>>, vector<1x128xf32>
      tpu.vector_store %arg7[%swap3A_162, %swap3A_163], %broadcast_in_dim3A_161 {strides = array<i32>} : memref<8x128xf32, #tpu.memory_space<vmem>>, vector<1x128xf32>,
      %broadcast_in_dim3A_165 = arith.constant 0.000000e+00 : f32
      %broadcast_in_dim3A_166 = vector.broadcast %broadcast_in_dim3A_165 : f32 to vector<2x128xf32>
      %swap3A_167 = arith.constant 6 : index
      %swap3A_168 = arith.constant 0 : index
      %swap3A_169 = vector.load %arg7[%swap3A_167, %swap3A_168] : memref<8x128xf32, #tpu.memory_space<vmem>>, vector<2x128xf32>
      tpu.vector_store %arg7[%swap3A_167, %swap3A_168], %broadcast_in_dim3A_166 {strides = array<i32>} : memref<8x128xf32, #tpu.memory_space<vmem>>, vector<2x128xf32>,
    } else {
    }
    return
  }
  func.func @transform_0(%arg0: i32) -> i32 {
    %c0_i32 = arith.constant 0 : i32
    %c0_i32_0 = arith.constant 0 : i32
    return %c0_i32 : i32
  }
  func.func @transform_1(%arg0: i32) -> (i32, i32) {
    %c0_i32 = arith.constant 0 : i32
    %c0_i32_0 = arith.constant 0 : i32
    return %arg0, %c0_i32 : i32, i32
  }
  func.func @transform_2(%arg0: i32) -> (i32, i32) {
    %c0_i32 = arith.constant 0 : i32
    %c0_i32_0 = arith.constant 0 : i32
    return %arg0, %c0_i32 : i32, i32
  }
  func.func @transform_3(%arg0: i32) -> (i32, i32) {
    %c0_i32 = arith.constant 0 : i32
    %c0_i32_0 = arith.constant 0 : i32
    return %arg0, %c0_i32 : i32, i32
  }
  func.func @transform_4(%arg0: i32) -> (i32, i32) {
    %c0_i32 = arith.constant 0 : i32
    %c0_i32_0 = arith.constant 0 : i32
    return %arg0, %c0_i32 : i32, i32
  }
  func.func @transform_5(%arg0: i32) -> (i32, i32) {
    %c0_i32 = arith.constant 0 : i32
    %c0_i32_0 = arith.constant 0 : i32
    return %arg0, %c0_i32 : i32, i32
  }
  func.func @transform_6(%arg0: i32) -> (i32, i32) {
    %c0_i32 = arith.constant 0 : i32
    %c0_i32_0 = arith.constant 0 : i32
    %c0_i32_1 = arith.constant 0 : i32
    return %c0_i32, %c0_i32_0 : i32, i32
  }
}

</mosaic_0001>

<sc_bundles>
// kernel: kernel.4.cloned.1.call-start
scs
__scs_entry_jumppad:
0x0: {  	(pc) =	sbr.rel $0x88, $3  }
0x1: {  	(tag) =	ssettag $0x0;
	lr =	simm.s32 $0x1  }
0x2: {  	[smem:$0x3F96] =	sst lr;
	_ =	strace $0xD0000000  }
0x3: {  	_ = 	snop  }
0x4: {  	_ = 	snop  }
0x5: {  	_ = 	snop  }
0x6: {  	_ = 	snop  }
0x7: {  	_ = 	snop  }
__scs_overlays_trampoline_lowered:
0x8: {  	[smem:$0x3FA5] =	sst s0  }
0x9: {  	[smem:$0x3FA6] =	sst s1  }
0xa: {  	[smem:$0x3FA7] =	sst s2  }
0xb: {  	[smem:$0x3FA8] =	sst s3  }
0xc: {  	[smem:$0x3FA9] =	sst s4  }
0xd: {  	[smem:$0x3FAA] =	sst s5  }
0xe: {  	[smem:$0x3FAB] =	sst s6  }
0xf: {  	[smem:$0x3FAC] =	sst s7  }
0x10: {  	[smem:$0x3FAD] =	sst s8  }
0x11: {  	[smem:$0x3FAE] =	sst s9;
	s0 =	simm.s32 @!p0 $0x0  }
0x12: {  	s1 =	sld [smem:$0x3F94];
	s0 =	simm.s32 @p0 $0x1  }
0x13: {  	[smem:$0x3FAF] =	sst s0;
	s0 =	simm.s32 @!p1 $0x0  }
0x14: {  	s2 =	sld [smem:$0x3F93];
	s0 =	simm.s32 @p1 $0x1  }
0x15: {  	[smem:$0x3FB0] =	sst s0;
	s0 =	simm.s32 @!p2 $0x0  }
0x16: {  	s3 =	sld [smem:$0x3FDB];
	s0 =	simm.s32 @p2 $0x1  }
0x17: {  	s4 =	simm.s32 $0x1BF5;
	[smem:$0x3FB2] =	sst s0  }
0x18: {  	s0 =	sld [smem:$0x3F95];
	_ =	swait.ge [sflag:s4], $0x0  }
0x19: {  	s7 =	sld [smem:$0x3F96]  }
0x1a: {  	s8 =	sadd.s32 $0xFFFFE003, lr  }
0x1b: {  	s9 =	sadd.s32 $0xFFFFFEF7, lr;
	s5 =	simm.s32 $0xFFFFFFFF;
	p2 =	slt.u32 s8, $0xFFFFF086  }
0x1c: {  	p1 =	slt.u32 s9, $0xF7A;
	s5 =	simm.s32 @!p2 $0x0  }
0x1d: {  	s5 =	simm.s32 @p1 $0x1;
	p0 =	seq.s32 s7, s2  }
0x1e: {  	s7 =	smul.u32 @!p0 $0xF7A, s2;
	p2 =	seq.s32 @!p0 s5, $0x0  }
0x1f: {  	s9 =	smul.u32 $0xF7A, s1;
	s8 =	simm.s32 @!p0 $0x1BF5;
	p2 =	por !p2, p0  }
0x20: {  	[sflag:s8] =	ssyncset.s32 @!p0 $0xFFFFF086;
	s6 =	sadd.s32 @!p0 s3, s7;
	s7 =	simm.s32 @!p0 $0x108  }
0x21: {  	s3 =	sadd.s32 s3, s9;
	s6 =	sadd.s32 @!p0 $0x88, s6;
	s7 =	simm.s32 @p2 $0x1082  }
0x22: {  	[simem:s7], [sflag:s8] =	dma.local @!p0 [hbm:s6], $0xF7A  }
0x23: {  	s9 =	sor.u32 $0xD0000000, s2;
	s6 =	simm.s32 $0x108;
	_ =	swait.ge @!p0 [sflag:s8], $0x0  }
0x24: {  	s3 =	sadd.s32 $0x88, s3;
	s6 =	simm.s32 @!p1 $0x1082;
	[sflag:s4] =	ssyncset.s32 $0xFFFFF086  }
0x25: {  	[simem:s6], [sflag:s4] =	dma.local [hbm:s3], $0xF7A  }
0x26: {  	[smem:$0x3F96] =	sst s1;
	(tag) =	ssettag s2;
	_ =	strace s9  }
0x27: {  	s1 =	sld [smem:$0x3FA6]  }
0x28: {  	s2 =	sld [smem:$0x3FA7]  }
0x29: {  	s4 =	sld [smem:$0x3FA9]  }
0x2a: {  	p0 =	seq.s32 s5, $0x0;
	s5 =	sld [smem:$0x3FAA]  }
0x2b: {  	s6 =	sld [smem:$0x3FAB]  }
0x2c: {  	s7 =	sld [smem:$0x3FAC]  }
0x2d: {  	s3 =	simm.s32 $0x108;
	s8 =	sld [smem:$0x3FAD]  }
0x2e: {  	s3 =	simm.s32 @!p0 $0x1082;
	s9 =	sld [smem:$0x3FAE]  }
0x2f: {  	lr =	sadd.s32 s0, s3;
	s0 =	sld [smem:$0x3FA5]  }
0x30: {  	s3 =	sld [smem:$0x3FA8]  }
0x31: {  	[smem:$0x3FB1] =	sst s10  }
0x32: {  	s10 =	sld [smem:$0x3FAF];
	_ =	sdelay $0x3  }
0x33: {  	p0 =	seq.s32 s10, $0x1;
	s10 =	sld [smem:$0x3FB1];
	_ =	sdelay $0x3  }
0x34: {  	[smem:$0x3FB1] =	sst s10  }
0x35: {  	s10 =	sld [smem:$0x3FB0];
	_ =	sdelay $0x3  }
0x36: {  	p1 =	seq.s32 s10, $0x1;
	s10 =	sld [smem:$0x3FB1];
	_ =	sdelay $0x3  }
0x37: {  	[smem:$0x3FB1] =	sst s10  }
0x38: {  	s10 =	sld [smem:$0x3FB2]  }
0x39: {  	_ = 	snop;
	(pc) =	sbr.ind lr, $3  }
0x3a: {  	_ = 	snop  }
0x3b: {  	_ = 	snop  }
0x3c: {  	p2 =	seq.s32 s10, $0x1;
	s10 =	sld [smem:$0x3FB1]  }
0x3d: {  	_ =	shalt  }
0x3e: {  	_ =	shalt  }
0x3f: {  	_ =	shalt  }
0x40: {  	_ =	shalt  }
0x41: {  	_ =	shalt  }
0x42: {  	_ =	shalt  }
0x43: {  	_ =	shalt  }
0x44: {  	_ =	shalt  }
0x45: {  	_ =	shalt  }
0x46: {  	_ =	shalt  }
0x47: {  	_ =	shalt  }
0x48: {  	_ =	shalt  }
0x49: {  	_ =	shalt  }
0x4a: {  	_ =	shalt  }
0x4b: {  	_ =	shalt  }
0x4c: {  	_ =	shalt  }
0x4d: {  	_ =	shalt  }
0x4e: {  	_ =	shalt  }
0x4f: {  	_ =	shalt  }
0x50: {  	_ =	shalt  }
0x51: {  	_ =	shalt  }
0x52: {  	_ =	shalt  }
0x53: {  	_ =	shalt  }
0x54: {  	_ =	shalt  }
0x55: {  	_ =	shalt  }
0x56: {  	_ =	shalt  }
0x57: {  	_ =	shalt  }
0x58: {  	_ =	shalt  }
0x59: {  	_ =	shalt  }
0x5a: {  	_ =	shalt  }
0x5b: {  	_ =	shalt  }
0x5c: {  	_ =	shalt  }
0x5d: {  	_ =	shalt  }
0x5e: {  	_ =	shalt  }
0x5f: {  	_ =	shalt  }
0x60: {  	_ =	shalt  }
0x61: {  	_ =	shalt  }
0x62: {  	_ =	shalt  }
0x63: {  	_ =	shalt  }
0x64: {  	_ =	shalt  }
0x65: {  	_ =	shalt  }
0x66: {  	_ =	shalt  }
0x67: {  	_ =	shalt  }
0x68: {  	_ =	shalt  }
0x69: {  	_ =	shalt  }
0x6a: {  	_ =	shalt  }
0x6b: {  	_ =	shalt  }
0x6c: {  	_ =	shalt  }
0x6d: {  	_ =	shalt  }
0x6e: {  	_ =	shalt  }
0x6f: {  	_ =	shalt  }
0x70: {  	_ =	shalt  }
0x71: {  	_ =	shalt  }
0x72: {  	_ =	shalt  }
0x73: {  	_ =	shalt  }
0x74: {  	_ =	shalt  }
0x75: {  	_ =	shalt  }
0x76: {  	_ =	shalt  }
0x77: {  	_ =	shalt  }
0x78: {  	_ =	shalt  }
0x79: {  	_ =	shalt  }
0x7a: {  	_ =	shalt  }
0x7b: {  	_ =	shalt  }
0x7c: {  	_ =	shalt  }
0x7d: {  	_ =	shalt  }
0x7e: {  	_ =	shalt  }
0x7f: {  	_ =	shalt  }
0x80: {  	_ =	shalt  }
0x81: {  	_ =	shalt  }
0x82: {  	_ =	shalt  }
0x83: {  	_ =	shalt  }
0x84: {  	_ =	shalt  }
0x85: {  	_ =	shalt  }
0x86: {  	_ =	shalt  }
0x87: {  	_ =	shalt  }
.Lfunc_end0:
.L_simem_size_0:
called_computation_lowered:
.L_overlay_start_0:
0x88: {  	s0 =	sld [smem:$0x3FD9]  }
0x89: {  	s1 =	sld [smem:$0x3FFE];
	_ =	sdelay $0x3  }
0x8a: {  	s0 =	sadd.s32 s1, s0  }
0x8b: {  	[smem:$0x3FBD] =	sst s0  }
0x8c: {  	_ = 	snop  }
0x8d: {  	s0 =	sld [smem:$0x3FD0];
	_ =	sdelay $0x1  }
0x8e: {  	s13 =	sld [smem:$0x3FC2]  }
0x8f: {  	s3 =	simm.s32 $0xA;
	s4 =	simm.s32 $0x10;
	s2 =	sld [smem:$0x3FC1]  }
0x90: {  	[smem:s4], [sflag:s3] =	dma.local [hbm:s0], $0x1  }
0x91: {  	_ =	swait.eq [sflag:s3], $0x1  }
0x92: {  	[sflag:s3] =	ssyncset.done $0x0  }
0x93: {  	s14 =	sld [smem:$0x12];
	[sflag:s3] =	ssyncadd.s32 $0xFFFFFFFF  }
0x94: {  	s15 =	sld [smem:$0x13];
	(tm) =	ssettm $0x1  }
0x95: {  	s16 =	sld [smem:$0x3FFB];
	_ =	sdelay $0x3  }
0x96: {  	_ =	strace s16  }
0x97: {  	s4 =	sld [smem:$0x3FFC];
	_ =	sdelay $0x3  }
0x98: {  	_ =	strace s4  }
0x99: {  	s4 =	sld [smem:$0x3FFD];
	_ =	sdelay $0x3  }
0x9a: {  	_ =	strace s4  }
0x9b: {  	_ =	strace $0x8FFFFFFF  }
0x9c: {  	s17 =	sld [smem:$0x3FDB];
	_ =	sdelay $0x1  }
0x9d: {  	s5 =	simm.s32 $_scs_section_size  }
0x9e: {  	s6 =	simm.s32 $_size__tile_overlayer_lowered;
	s7 =	simm.s32 $_tile_overlayer_lowered  }
0x9f: {  	s20 =	simm.s32 $0x1BFF;
	s19 =	sshll.u32 s7, $0x1;
	s4 =	sadd.s32 s5, s17  }
0xa0: {  	s8 =	simm.s32 $0x0;
	s18 =	sshll.u32 s6, $0x1;
	s6 =	sadd.s32 s19, s4  }
0xa1: {  	[timem:s8], [sflag:s20] =	dma.local [hbm:s6], s18  }
0xa2: {  	_ =	swait.ge [sflag:s20], s18  }
0xa3: {  	s5 =	ssub.s32 $0x0, s18;
	[sflag:s20] =	ssyncset.done $0x0  }
0xa4: {  	[sflag:s20] =	ssyncadd.s32 s5;
	_ =	sdelay $0x1  }
0xa5: {  	s21 =	simm.s32 $0x1B8B  }
0xa6: {  	_ =	swait.ge [sflag:s21], $0x1  }
0xa7: {  	[sflag:s21] =	ssyncset.done $0x0  }
0xa8: {  	s23 =	simm.s32 $0x1B8E;
	s22 =	sld [smem:$0x3FFE];
	[sflag:s21] =	ssyncadd.s32 $0xFFFFFFFF  }
0xa9: {  	s24 =	simm.s32 $execute0_lowered;
	[smem:$0x3FD2] =	sst s23  }
0xaa: {  	s6 =	sshll.u32 s24, $0x1;
	_ =	strace $0x80000046;
	[dreg:$0x1] =	wrdreg $0xFFFFFFFF  }
0xab: {  	s25 =	simm.s32 $_size_execute0_lowered;
	s4 =	sadd.s32 s4, s6;
	[dreg:$0x0] =	wrdreg $0x0  }
0xac: {  	s6 =	sshll.u32 s25, $0x1;
	[dreg:$0x2] =	wrdreg s4  }
0xad: {  	[dreg:$0x3] =	wrdreg s6  }
0xae: {  	[dreg:$0x4] =	wrdreg $0xC0  }
0xaf: {  	_ =	task [dreg:s8], $0x5FFFF  }
0xb0: {  	[dreg:$0x1] =	wrdreg $0xFFFFFFFF  }
0xb1: {  	[dreg:$0x0] =	wrdreg $0x60  }
0xb2: {  	[dreg:$0x2] =	wrdreg s22  }
0xb3: {  	[dreg:$0x3] =	wrdreg s13  }
0xb4: {  	[dreg:$0x4] =	wrdreg s2  }
0xb5: {  	[dreg:$0x5] =	wrdreg s14  }
0xb6: {  	[dreg:$0x6] =	wrdreg s15  }
0xb7: {  	[dreg:$0x7] =	wrdreg $0x4D000  }
0xb8: {  	[dreg:$0x8] =	wrdreg $0x9  }
0xb9: {  	_ =	task.clear_ibuf [dreg:s8], $0x9FFFF;
	_ =	strace $0x90000046  }
0xba: {  	s26 =	simm.s32 $0x9;
	_ =	strace $0x80000048  }
0xbb: {  	_ =	swait.ge [sflag:s26], $0x1  }
0xbc: {  	[sflag:s26] =	ssyncadd.s32 $0xFFFFFFFF  }
0xbd: {  	_ =	strace $0x90000048  }
0xbe: {  	_ =	sfence  }
0xbf: {  	s28 =	sld [smem:$0x0];
	_ =	sdelay $0x1  }
0xc0: {  	s29 =	srdreg.scid  }
0xc1: {  	s30 =	sshll.u32 s29, $0xD;
	s31 =	sshrl.u32 s29, $0x2  }
0xc2: {  	s1 =	sand.u32 $0x1, s29;
	s2 =	sand.u32 $0x4000, s30;
	s0 =	sadd.s32 s31, s28  }
0xc3: {  	s1 =	sor.u32 s2, s1;
	s0 =	sshll.u32 s0, $0x11  }
0xc4: {  	s0 =	sor.u32 s0, s1  }
0xc5: {  	s0 =	sadd.s32 $0x8F2B, s0  }
0xc6: {  	[sflag:s0] =	ssyncadd.remote.s32 $0x1  }
0xc7: {  	_ =	sfence.sel $0xFFFF  }
0xc8: {  	[dreg:$0x0] =	wrdreg $0xFFFFFFFF;
	(pc) =	sbr.abs _section_cstart, $3  }
0xc9: {  	[dreg:$0x1] =	wrdreg $0xFFFFFFFF  }
0xca: {  	_ =	task.clear_ibuf [dreg:s8], $0x2FFFF;
	_ =	strace $0x9FFFFFFF  }
0xcb: {  	(tm) =	ssettm $0x7FFFFFFF  }
tec
execute0_lowered:
.L_overlay_start_1:
0x0: {  	(tag) =	ssettag $0x1  }
0x1: {  	s1 =	rddreg [dreg:$0x0]  }
0x2: {  	s2 =	rddreg [dreg:$0x1]  }
0x3: {  	s6 =	rddreg [dreg:$0x2]  }
0x4: {  	s10 =	rddreg [dreg:$0x3]  }
0x5: {  	s11 =	rddreg [dreg:$0x4];
	s5 =	stileid.u32  }
0x6: {  	s3 =	rddreg [dreg:$0x5];
	s7 =	simm.s32 $0x0;
	s4 =	sshll.u32 s5, $0xB  }
0x7: {  	[smem:$0x7FF] =	sst s7;
	s4 =	sadd.s32 s4, s1  }
0x8: {  	s0 =	rddreg [dreg:$0x6];
	_ =	strace $0x80000047;
	s4 =	sadd.s32 $0xC00, s4  }
0x9: {  	[tilespmem:s7], [sflag:$0x1] =	stream.linear.gather [hbm4b:s4+s7], $0x4000, $0x38;
	[tilespmem:$0x5100] =	vst v63  }
0xa: {  	s4 =	simm.s32 $0x1  }
0xb: {  	_ =	swait.ge [sflag:s4], $0x4000  }
0xc: {  	[sflag:s4] =	ssyncset.done $0x0  }
0xd: {  	s9 =	simm.s32 $0x4080;
	s8 =	sadd.s32 $0x8C00, s1;
	[sflag:s4] =	ssyncadd.s32 $0xFFFFC000  }
0xe: {  	[tilespmem:s9], [sflag:$0x1] =	stream.linear.gather [hbm4b:s8+s7], $0x80, $0x38;
	[tilespmem:$0x5100] =	vst v63  }
0xf: {  	_ =	swait.ge [sflag:s4], $0x80  }
0x10: {  	[sflag:s4] =	ssyncset.done $0x0  }
0x11: {  	v0 =	vimm.f32 $1.000000000e+00;
	[sflag:s4] =	ssyncadd.s32 $0xFFFFFF80  }
0x12: {  	[tilespmem:$0x4000] =	vst v0  }
0x13: {  	[tilespmem:$0x4010] =	vst v0  }
0x14: {  	[tilespmem:$0x4020] =	vst v0  }
0x15: {  	[tilespmem:$0x4030] =	vst v0  }
0x16: {  	[tilespmem:$0x4040] =	vst v0  }
0x17: {  	[tilespmem:$0x4050] =	vst v0  }
0x18: {  	p0 =	sne.s32 s5, $0x0;
	[tilespmem:$0x4060] =	vst v0  }
0x19: {  	s1 =	sadd.s32 $0x8E00, s1;
	s7 =	sshrl.u32 @!p0 s3, $0x3;
	s8 =	simm.s32 @!p0 $0x1C01;
	[tilespmem:$0x4070] =	vst v0  }
0x1a: {  	[spmem:s7], [sflag:s8] =	dma.local @!p0 [hbm:s1], $0x800  }
0x1b: {  	s1 =	simm.s32 @!p0 $0x1  }
0x1c: {  	s31 =	simm.s32 $0x0;
	_ =	swait.ge @!p0 [sflag:s1], $0x800  }
0x1d: {  	s30 =	sshll.u32 s5, $0xA;
	s12 =	sshll.u32 s5, $0x7;
	[sflag:s1] =	ssyncset.done @!p0 $0x0  }
0x1e: {  	s5 =	sadd.s32 s2, s12;
	s6 =	sadd.s32 s6, s12;
	[sflag:s1] =	ssyncadd.s32 @!p0 $0xFFFFF800  }
0x1f: {  	s9 =	simm.s32 $0x4000;
	s8 =	simm.s32 $0x80;
	[bflag:$0x0] =	sbarrier.arrive $0xFFFF  }
0x20: {  	[spmem:s3] =	stream.indirect.scatter.add.f32 [tilespmem:s9], [sflag:$0x1], $0x1, s31, s8, $0xb8;
	[tilespmem:$0x5100] =	vst v63  }
0x21: {  	s2 =	sadd.s32 s10, s12;
	s10 =	simm.s32 $0x200;
	_ =	swait.ge [sflag:s4], $0x80  }
0x22: {  	s7 =	sadd.s32 s30, s3;
	s1 =	sadd.s32 s11, s12;
	[sflag:s4] =	ssyncset.done $0x0  }
.LBB2_1:
0x23: {  	s11 =	sshra.s32 s10, $0x2;
	[sflag:s4] =	ssyncadd.s32 $0xFFFFFF80;
	p1 =	sne.s32 s10, $0xFE00  }
0x24: {  	[spmem:s3] =	stream.indirect.scatter.add.f32 [tilespmem:s9], [sflag:$0x1], $0x1, s11, s8, $0xb8;
	[tilespmem:$0x5100] =	vst v63  }
.Ltmp0:
0x25: {  	_ = 	snop;
	(pc) =	sbr.rel @p1 .LBB2_1-.Ltmp0, $4  }
0x26: {  	_ = 	snop  }
0x27: {  	s10 =	sadd.s32 $0x200, s10  }
0x28: {  	_ =	swait.ge [sflag:s4], $0x80  }
0x29: {  	[sflag:s4] =	ssyncset.done $0x0  }
0x2a: {  	[sflag:s4] =	ssyncadd.s32 $0xFFFFFF80  }
0x2b: {  	s3 =	simm.s32 $0x4100;
	s28 =	simm.s32 $0x1;
	[bflag:$0x0] =	sbarrier.arrive $0xFFFF  }
0x2c: {  	[tilespmem:s3], [sflag:$0x1] =	stream.linear.gather [spmem:s7], $0x400, $0x38;
	[tilespmem:$0x5100] =	vst v63  }
0x2d: {  	_ =	swait.ge [sflag:s28], $0x400  }
0x2e: {  	[sflag:s28] =	ssyncset.done $0x0  }
0x2f: {  	s29 =	simm.s32 $0x0;
	s30 =	simm.s32 $0x4500;
	[sflag:s28] =	ssyncadd.s32 $0xFFFFFC00  }
0x30: {  	[tilespmem:s30], [sflag:$0x1] =	stream.linear.gather [hbm4b:s5+s29], $0x400, $0x38;
	[tilespmem:$0x5100] =	vst v63  }
0x31: {  	_ =	swait.ge [sflag:s28], $0x400  }
0x32: {  	[sflag:s28] =	ssyncset.done $0x0  }
0x33: {  	s31 =	simm.s32 $0x4900;
	[sflag:s28] =	ssyncadd.s32 $0xFFFFFC00  }
0x34: {  	[tilespmem:s31], [sflag:$0x1] =	stream.linear.gather [hbm4b:s6+s29], $0x400, $0x38;
	[tilespmem:$0x5100] =	vst v63  }
0x35: {  	_ =	swait.ge [sflag:s28], $0x400  }
0x36: {  	[sflag:s28] =	ssyncset.done $0x0  }
0x37: {  	[sflag:s28] =	ssyncadd.s32 $0xFFFFFC00  }
0x38: {  	s3 =	simm.s32 $0x0;
	v0 =	vld [tilespmem:$0x4080]  }
0x39: {  	v4 =	vld [tilespmem:s3+$0x4100]  }
0x3a: {  	v1 =	vld [tilespmem:$0x4090]  }
0x3b: {  	v2 =	vld [tilespmem:s3+$0x4500];
	_ =	sdelay $0x2  }
0x3c: {  	v5 =	vld [tilespmem:s3+$0x4900];
	v3 =	vmul.f32 $2.441406250e-04, v4;
	_ =	sdelay $0x1  }
0x3d: {  	v2 =	vmul.f32 v2, v0;
	v3 =	vmul.f32 v3, v1;
	_ =	sdelay $0x1  }
0x3e: {  	s4 =	simm.s32 $0x10;
	v3 =	vadd.f32 v3, v2  }
0x3f: {  	s5 =	simm.s32 $0x80;
	vm0 =	vgt.f32 v4, $0.0e+00;
	v4 =	vadd.s32 $0x1, v5;
	v2 =	vld [tilespmem:s4+$0x4100]  }
.LBB2_3:
0x40: {  	p1 =	sne.s32 s5, $0xFC0;
	[tilespmem:s3+$0x4500] =	vst v3;
	v3 =	vsel vm0, $0x0, v4  }
0x41: {  	v4 =	vld [tilespmem:s4+$0x4500];
	[tilespmem:s3+$0x4900] =	vst v3;
	s3 =	smov.u32 s4;
	_ =	sdelay $0x2  }
0x42: {  	v3 =	vmul.f32 $2.441406250e-04, v2;
	v5 =	vld [tilespmem:s3+$0x4900]  }
.Ltmp1:
0x43: {  	(pc) =	sbr.rel @p1 .LBB2_3-.Ltmp1, $3  }
0x44: {  	v4 =	vmul.f32 v4, v0;
	v3 =	vmul.f32 v3, v1;
	_ =	sdelay $0x1  }
0x45: {  	s4 =	sshra.s32 s5, $0x2;
	v3 =	vadd.f32 v3, v4  }
0x46: {  	s5 =	sadd.s32 $0x40, s5;
	vm0 =	vgt.f32 v2, $0.0e+00;
	v2 =	vld [tilespmem:s4+$0x4100];
	v4 =	vadd.s32 $0x1, v5  }
0x47: {  	[tilespmem:s3+$0x4500] =	vst v3;
	v4 =	vsel vm0, $0x0, v4  }
0x48: {  	v3 =	vld [tilespmem:s4+$0x4500];
	[tilespmem:s3+$0x4900] =	vst v4  }
0x49: {  	v5 =	vld [tilespmem:s4+$0x4900];
	_ =	sdelay $0x1  }
0x4a: {  	v61 =	vmul.f32 $2.441406250e-04, v2;
	_ =	sdelay $0x1  }
0x4b: {  	v0 =	vmul.f32 v3, v0;
	v1 =	vmul.f32 v61, v1  }
0x4c: {  	vm15 =	vgt.f32 v2, $0.0e+00;
	v62 =	vadd.s32 $0x1, v5  }
0x4d: {  	v0 =	vadd.f32 v1, v0;
	v63 =	vsel vm15, $0x0, v62  }
0x4e: {  	[tilespmem:s4+$0x4900] =	vst v63  }
0x4f: {  	s28 =	simm.s32 $0x0;
	s29 =	simm.s32 $0x4500;
	s30 =	simm.s32 $0x1;
	[tilespmem:s4+$0x4500] =	vst v0  }
0x50: {  	[hbm4b:s2+s28] =	stream.linear.scatter [tilespmem:s29], [sflag:$0x1], $0x400, $0x38;
	[tilespmem:$0x5100] =	vst v63  }
0x51: {  	_ =	swait.ge [sflag:s30], $0x400  }
0x52: {  	[sflag:s30] =	ssyncset.done $0x0  }
0x53: {  	s31 =	simm.s32 $0x4900;
	[sflag:s30] =	ssyncadd.s32 $0xFFFFFC00  }
0x54: {  	[hbm4b:s1+s28] =	stream.linear.scatter [tilespmem:s31], [sflag:$0x1], $0x400, $0x38;
	[tilespmem:$0x5100] =	vst v63  }
0x55: {  	_ =	swait.ge [sflag:s30], $0x400  }
0x56: {  	[sflag:s30] =	ssyncset.done $0x0  }
0x57: {  	[sflag:s30] =	ssyncadd.s32 $0xFFFFFC00  }
0x58: {  	_ =	sfence.sel $0x180000  }
0x59: {  	[bflag:$0x0] =	sbarrier.arrive $0xFFFF  }
0x5a: {  	_ =	strace $0x90000047  }
0x5b: {  	s0 =	sadd.s32 @!p0 $0x100000, s0;
	[bflag:$0x2] =	sbarrier.arrive $0xFFFF  }
0x5c: {  	[sflag:s0] =	ssyncadd.tile.s32 @!p0 $0x1;
	_ =	shalt  }
.Lfunc_end2:
_tile_overlayer_lowered:
.L_overlay_start_2:
0x5d: {  	(tag) =	ssettag $0x2  }
0x5e: {  	s0 =	rddreg [dreg:$0x0];
	s2 =	stileid.u32  }
0x5f: {  	s1 =	rddreg [dreg:$0x1];
	p0 =	sne.s32 s2, $0x0  }
0x60: {  	s3 =	rddreg [dreg:$0x2];
	[bflag:$0x3] =	sbarrier.arrive $0xFFFF;
	s2 =	simm.s32 @!p0 $0x1C01  }
0x61: {  	[timem:s3], [sflag:s2] =	dma.local @!p0 [hbm:s0], s1  }
0x62: {  	s0 =	simm.s32 @!p0 $0x1  }
0x63: {  	_ =	swait.ge @!p0 [sflag:s0], s1  }
0x64: {  	s1 =	ssub.s32 @!p0 $0x0, s1;
	[sflag:s0] =	ssyncset.done @!p0 $0x0  }
0x65: {  	[sflag:s0] =	ssyncadd.s32 @!p0 s1  }
0x66: {  	[bflag:$0x3] =	sbarrier.arrive $0xFFFF  }
0x67: {  	_ =	shalt  }

</sc_bundles>
